<compile_context>
chip_gen: v7x
topology: tpu7x:2x2x1
jax: 0.10.2.dev20260603
libtpu: 0.0.44.dev20260713+nightly
codegen_flags: <defaults>
</compile_context>

<pallas_src>
import functools

import jax
import jax.numpy as jnp
import numpy as np
from jax.experimental import pallas as pl

_M_AP0_TO_AP1 = np.array([[0.695202192603776, 0.140678696470703, 0.164119110925521],
                          [0.044794442326405, 0.859671142578125, 0.095534415531158],
                          [-0.005480591960907, 0.004868886886478, 1.000611705074429]],
                         dtype=np.float32)
_M_AP1_TO_XYZ = np.array([[0.6624541811, 0.1340042065, 0.156187687],
                          [0.2722287168, 0.6740817491, 0.0536895352],
                          [-0.0055746495, 0.0040607335, 1.0103391003]], dtype=np.float32)
_M_XYZ_TO_REC709 = np.array([[2.7054924, -0.7952845, -0.0112546],
                             [-0.4890756, 1.9897245, 0.0141678],
                             [0.0009212, -0.0137096, 0.9991839]], dtype=np.float32)

_LANES = 384
_D1 = np.kron(np.eye(_LANES // 3, dtype=np.float32), _M_AP0_TO_AP1.T.astype(np.float32))
_M_COMBINED = (_M_XYZ_TO_REC709.astype(np.float64) @ _M_AP1_TO_XYZ.astype(np.float64))
_D2 = np.kron(np.eye(_LANES // 3, dtype=np.float32),
              _M_COMBINED.T.astype(np.float32)).astype(np.float32)

_BLOCK_ROWS = 648


def _body(x_ref, d1_ref, d2_ref, o_ref):
    x = x_ref[...]
    y = jnp.dot(x, d1_ref[...], preferred_element_type=jnp.float32,
                precision=jax.lax.Precision.HIGHEST)
    y = jnp.clip(y, 0.0, 1.0)
    c = y * 63.0
    f = jnp.floor(c)
    w = c - f
    t = (jnp.minimum(f, 62.0) + w) * np.float32(1.0 / 63.0)
    z = jnp.dot(t, d2_ref[...], preferred_element_type=jnp.float32,
                precision=jax.lax.Precision.HIGHEST)
    z = jnp.clip(z, 0.0, 1.0)
    lin = z <= 0.0031308
    z_safe = jnp.where(lin, 1.0, z)
    o_ref[...] = jnp.where(lin, 12.92 * z,
                           1.055 * (z_safe ** np.float32(1.0 / 2.4)) - 0.055)


@functools.partial(jax.jit, static_argnames=())
def kernel(rgb, lut_3d):
    del lut_3d
    shape = rgb.shape
    total = rgb.size
    rows = total // _LANES
    flat = rgb.reshape(rows, _LANES)
    block = _BLOCK_ROWS if rows % _BLOCK_ROWS == 0 else rows
    out = pl.pallas_call(
        _body,
        grid=(rows // block,),
        in_specs=[
            pl.BlockSpec((block, _LANES), lambda i: (i, 0)),
            pl.BlockSpec((_LANES, _LANES), lambda i: (0, 0)),
            pl.BlockSpec((_LANES, _LANES), lambda i: (0, 0)),
        ],
        out_specs=pl.BlockSpec((block, _LANES), lambda i: (i, 0)),
        out_shape=jax.ShapeDtypeStruct((rows, _LANES), jnp.float32),
    )(flat, jnp.asarray(_D1), jnp.asarray(_D2))
    return out.reshape(shape)

# --- scband reference (transcript-rebuilt; emitter-appended) ---
"""Pipeline reference for scband-acescolor-transformer-87531433492803 (READ-ONLY COPY).

The authoritative reference and input builder live on the scoring server;
editing this copy changes nothing except your own understanding.
"""

import jax, jax.numpy as jnp
import numpy as np

M_AP0_TO_AP1 = jnp.array([[0.695202192603776, 0.140678696470703, 0.164119110925521],
                          [0.044794442326405, 0.859671142578125, 0.095534415531158],
                          [-0.005480591960907, 0.004868886886478, 1.000611705074429]], dtype=jnp.float32)
M_AP1_TO_XYZ = jnp.array([[0.6624541811, 0.1340042065, 0.156187687],
                          [0.2722287168, 0.6740817491, 0.0536895352],
                          [-0.0055746495, 0.0040607335, 1.0103391003]], dtype=jnp.float32)
M_XYZ_TO_REC709 = jnp.array([[2.7054924, -0.7952845, -0.0112546],
                             [-0.4890756, 1.9897245, 0.0141678],
                             [0.0009212, -0.0137096, 0.9991839]], dtype=jnp.float32)

LUT_SIZE = 64


def setup_inputs(seed: int = 0) -> dict:
    key = jax.random.key(seed)
    rgb = jax.random.uniform(key, (2, 1080, 1920, 3), dtype=jnp.float32)
    grid = jnp.linspace(0.0, 1.0, LUT_SIZE)
    r, g, b = jnp.meshgrid(grid, grid, grid, indexing='ij')
    lut_3d = jnp.stack([r, g, b], axis=-1).astype(jnp.float32)  # [64,64,64,3] identity tone LUT (matches extract_luts_from_ocio)
    return {"rgb": rgb, "lut_3d": lut_3d}


def _lookup_trilinear(lut_3d, rgb):
    size = lut_3d.shape[0]
    shape = rgb.shape[:-1]
    rgb_flat = rgb.reshape(-1, 3)
    coords = rgb_flat * (size - 1)
    coords_floor_f = jnp.floor(coords)
    coords_frac = coords - coords_floor_f
    cf = jnp.clip(coords_floor_f.astype(jnp.int32), 0, size - 2)
    x0, y0, z0 = cf[:, 0], cf[:, 1], cf[:, 2]
    idx_000 = lut_3d[x0, y0, z0]
    idx_001 = lut_3d[x0, y0, z0 + 1]
    idx_010 = lut_3d[x0, y0 + 1, z0]
    idx_011 = lut_3d[x0, y0 + 1, z0 + 1]
    idx_100 = lut_3d[x0 + 1, y0, z0]
    idx_101 = lut_3d[x0 + 1, y0, z0 + 1]
    idx_110 = lut_3d[x0 + 1, y0 + 1, z0]
    idx_111 = lut_3d[x0 + 1, y0 + 1, z0 + 1]
    wx = coords_frac[:, 0:1]
    wy = coords_frac[:, 1:2]
    wz = coords_frac[:, 2:3]
    v_00 = idx_000 * (1 - wz) + idx_001 * wz
    v_10 = idx_100 * (1 - wz) + idx_101 * wz
    v_01 = idx_010 * (1 - wz) + idx_011 * wz
    v_11 = idx_110 * (1 - wz) + idx_111 * wz
    v_0 = v_00 * (1 - wy) + v_01 * wy
    v_1 = v_10 * (1 - wy) + v_11 * wy
    result = v_0 * (1 - wx) + v_1 * wx
    return result.reshape(*shape, 3)


def _srgb_oetf(x):
    x = jnp.clip(x, 0.0, 1.0)
    lin = x <= 0.0031308
    x_safe = jnp.where(lin, 1.0, x)  # avoid nan grad of pow at 0
    return jnp.where(lin, 12.92 * x, 1.055 * jnp.power(x_safe, 1.0 / 2.4) - 0.055)


def reference(rgb, lut_3d):
    # 1. AP0 -> AP1 (matrix applied as v' = M @ v per pixel)
    ap1 = rgb @ M_AP0_TO_AP1.T
    # 2. Tone mapping via 3D LUT trilinear interpolation (inputs clamped to [0,1])
    ap1_c = jnp.clip(ap1, 0.0, 1.0)
    tone = _lookup_trilinear(lut_3d, ap1_c)
    # 3. AP1 -> XYZ -> Rec.709
    xyz = tone @ M_AP1_TO_XYZ.T
    rec709 = xyz @ M_XYZ_TO_REC709.T
    # 4. sRGB OETF
    return _srgb_oetf(rec709)

if __name__ == "__main__":
    import jax
    _d = setup_inputs()
    print(jax.jit(kernel)(*tuple(_d.values())))

</pallas_src>

<mosaic_0001>
module attributes {stable_mosaic.version = 14 : i64} {
  func.func @_body(%arg0: i32, %arg1: memref<648x384xf32, #tpu.memory_space<vmem>>, %arg2: memref<384x384xf32, #tpu.memory_space<vmem>>, %arg3: memref<384x384xf32, #tpu.memory_space<vmem>>, %arg4: memref<648x384xf32, #tpu.memory_space<vmem>>) attributes {dimension_semantics = [#tpu.dimension_semantics<arbitrary>], iteration_bounds = array<i64: 50>, scalar_prefetch = 0 : i64, scratch_operands = 0 : i64, tpu.core_type = #tpu.core_type<tc>, window_params = [{transform_indices = @transform_0, window_bounds = array<i64: 648, 384>}, {pipeline_mode = #tpu.pipeline_mode<synchronous>, transform_indices = @transform_1, window_bounds = array<i64: 384, 384>}, {pipeline_mode = #tpu.pipeline_mode<synchronous>, transform_indices = @transform_2, window_bounds = array<i64: 384, 384>}, {transform_indices = @transform_3, window_bounds = array<i64: 648, 384>}]} {
    %get3A = arith.constant 0 : index
    %get3A_0 = arith.constant 0 : index
    %get3A_1 = vector.load %arg1[%get3A, %get3A_0] : memref<648x384xf32, #tpu.memory_space<vmem>>, vector<648x384xf32>
    %get3A_2 = arith.constant 0 : index
    %get3A_3 = arith.constant 0 : index
    %get3A_4 = vector.load %arg2[%get3A_2, %get3A_3] : memref<384x384xf32, #tpu.memory_space<vmem>>, vector<384x384xf32>
    %dot_general3A = arith.constant dense<0.000000e+00> : vector<648x384xf32>
    %dot_general3A_5 = tpu.matmul %get3A_1, %get3A_4, %dot_general3A {dimension_numbers = #tpu.dot_dimension_numbers<[1], [0], [0], [1], [0, 0, 1, 1], [], []>, precision = #tpu.contract_precision<fp32>, transpose_lhs_hint = false} : vector<648x384xf32>, vector<384x384xf32>, vector<648x384xf32> -> vector<648x384xf32>
    %jit3A = arith.constant 0.000000e+00 : f32
    %jit3A_6 = arith.constant 1.000000e+00 : f32
    %max3A = vector.broadcast %jit3A : f32 to vector<648x384xf32>
    %max3A_7 = arith.maximumf %max3A, %dot_general3A_5 : vector<648x384xf32>
    %min3A = vector.broadcast %jit3A_6 : f32 to vector<648x384xf32>
    %min3A_8 = arith.minimumf %min3A, %max3A_7 : vector<648x384xf32>
    %mul3A = arith.constant 6.300000e+01 : f32
    %mul3A_9 = vector.broadcast %mul3A : f32 to vector<648x384xf32>
    %mul3A_10 = arith.mulf %min3A_8, %mul3A_9 : vector<648x384xf32>
    %floor3A = math.floor %mul3A_10 : vector<648x384xf32>
    %sub3A = arith.subf %mul3A_10, %floor3A : vector<648x384xf32>
    %min3A_11 = arith.constant 6.200000e+01 : f32
    %min3A_12 = vector.broadcast %min3A_11 : f32 to vector<648x384xf32>
    %min3A_13 = arith.minimumf %floor3A, %min3A_12 : vector<648x384xf32>
    %add3A = arith.addf %min3A_13, %sub3A : vector<648x384xf32>
    %mul3A_14 = arith.constant 0.0158730168 : f32
    %mul3A_15 = vector.broadcast %mul3A_14 : f32 to vector<648x384xf32>
    %mul3A_16 = arith.mulf %add3A, %mul3A_15 : vector<648x384xf32>
    %get3A_17 = arith.constant 0 : index
    %get3A_18 = arith.constant 0 : index
    %get3A_19 = vector.load %arg3[%get3A_17, %get3A_18] : memref<384x384xf32, #tpu.memory_space<vmem>>, vector<384x384xf32>
    %dot_general3A_20 = arith.constant dense<0.000000e+00> : vector<648x384xf32>
    %dot_general3A_21 = tpu.matmul %mul3A_16, %get3A_19, %dot_general3A_20 {dimension_numbers = #tpu.dot_dimension_numbers<[1], [0], [0], [1], [0, 0, 1, 1], [], []>, precision = #tpu.contract_precision<fp32>, transpose_lhs_hint = false} : vector<648x384xf32>, vector<384x384xf32>, vector<648x384xf32> -> vector<648x384xf32>
    %jit3A_22 = arith.constant 0.000000e+00 : f32
    %jit3A_23 = arith.constant 1.000000e+00 : f32
    %max3A_24 = vector.broadcast %jit3A_22 : f32 to vector<648x384xf32>
    %max3A_25 = arith.maximumf %max3A_24, %dot_general3A_21 : vector<648x384xf32>
    %min3A_26 = vector.broadcast %jit3A_23 : f32 to vector<648x384xf32>
    %min3A_27 = arith.minimumf %min3A_26, %max3A_25 : vector<648x384xf32>
    %le3A = arith.constant 3.130800e-03 : f32
    %le3A_28 = vector.broadcast %le3A : f32 to vector<648x384xf32>
    %le3A_29 = arith.cmpf ole, %min3A_27, %le3A_28 : vector<648x384xf32>
    %jit3A_30 = arith.constant 1.000000e+00 : f32
    %broadcast_in_dim3A = vector.broadcast %jit3A_30 : f32 to vector<648x384xf32>
    %select_n3A = arith.select %le3A_29, %broadcast_in_dim3A, %min3A_27 : vector<648x384xi1>, vector<648x384xf32>
    %mul3A_31 = arith.constant 1.292000e+01 : f32
    %mul3A_32 = vector.broadcast %mul3A_31 : f32 to vector<648x384xf32>
    %mul3A_33 = arith.mulf %mul3A_32, %min3A_27 : vector<648x384xf32>
    %pow3A = arith.constant 0.416666657 : f32
    %pow3A_34 = vector.broadcast %pow3A : f32 to vector<648x384xf32>
    %pow3A_35 = math.powf %select_n3A, %pow3A_34 : vector<648x384xf32>
    %mul3A_36 = arith.constant 1.055000e+00 : f32
    %mul3A_37 = vector.broadcast %mul3A_36 : f32 to vector<648x384xf32>
    %mul3A_38 = arith.mulf %mul3A_37, %pow3A_35 : vector<648x384xf32>
    %sub3A_39 = arith.constant 5.500000e-02 : f32
    %sub3A_40 = vector.broadcast %sub3A_39 : f32 to vector<648x384xf32>
    %sub3A_41 = arith.subf %mul3A_38, %sub3A_40 : vector<648x384xf32>
    %select_n3A_42 = arith.select %le3A_29, %mul3A_33, %sub3A_41 : vector<648x384xi1>, vector<648x384xf32>
    %swap3A = arith.constant 0 : index
    %swap3A_43 = arith.constant 0 : index
    %swap3A_44 = vector.load %arg4[%swap3A, %swap3A_43] : memref<648x384xf32, #tpu.memory_space<vmem>>, vector<648x384xf32>
    tpu.vector_store %arg4[%swap3A, %swap3A_43], %select_n3A_42 {strides = array<i32>} : memref<648x384xf32, #tpu.memory_space<vmem>>, vector<648x384xf32>,
    return
  }
  func.func @transform_0(%arg0: i32) -> (i32, i32) {
    %c0_i32 = arith.constant 0 : i32
    %c0_i32_0 = arith.constant 0 : i32
    return %arg0, %c0_i32 : i32, i32
  }
  func.func @transform_1(%arg0: i32) -> (i32, i32) {
    %c0_i32 = arith.constant 0 : i32
    %c0_i32_0 = arith.constant 0 : i32
    %c0_i32_1 = arith.constant 0 : i32
    return %c0_i32, %c0_i32_0 : i32, i32
  }
  func.func @transform_2(%arg0: i32) -> (i32, i32) {
    %c0_i32 = arith.constant 0 : i32
    %c0_i32_0 = arith.constant 0 : i32
    %c0_i32_1 = arith.constant 0 : i32
    return %c0_i32, %c0_i32_0 : i32, i32
  }
  func.func @transform_3(%arg0: i32) -> (i32, i32) {
    %c0_i32 = arith.constant 0 : i32
    %c0_i32_0 = arith.constant 0 : i32
    return %arg0, %c0_i32 : i32, i32
  }
}

</mosaic_0001>

<sc_bundles>
// kernel: sparse-core-data-format-call.cloned.1.call-start
scs
called_computation_lowered:
.L_overlay_start_0:
0x0: {  	s2 =	sld [smem:$0x3FD9]  }
0x1: {  	s3 =	sld [smem:$0x3FFE];
	_ =	sdelay $0x1  }
0x2: {  	s1 =	srdreg.scid  }
0x3: {  	s0 =	sand.u32 $0x1, s1  }
0x4: {  	s18 =	sshll.u32 s0, $0xA;
	s2 =	sadd.s32 s3, s2  }
0x5: {  	s2 =	sadd.s32 s2, s18  }
0x6: {  	[smem:$0x3FC7] =	sst s2  }
0x7: {  	_ = 	snop  }
0x8: {  	s2 =	sld [smem:$0x3FD0];
	(tm) =	ssettm $0x1  }
0x9: {  	s19 =	sld [smem:$0x3FFB];
	_ =	sdelay $0x3  }
0xa: {  	_ =	strace s19  }
0xb: {  	s3 =	sld [smem:$0x3FFC];
	_ =	sdelay $0x3  }
0xc: {  	_ =	strace s3  }
0xd: {  	s3 =	sld [smem:$0x3FFD];
	_ =	sdelay $0x3  }
0xe: {  	_ =	strace s3  }
0xf: {  	_ =	strace $0x8FFFFFFF  }
0x10: {  	s20 =	sld [smem:$0x3FDB];
	_ =	sdelay $0x1  }
0x11: {  	s4 =	simm.s32 $_scs_section_size  }
0x12: {  	s5 =	simm.s32 $_size__tile_overlayer_lowered;
	s6 =	simm.s32 $_tile_overlayer_lowered  }
0x13: {  	s23 =	simm.s32 $0x1BFF;
	s22 =	sshll.u32 s6, $0x1;
	s3 =	sadd.s32 s4, s20  }
0x14: {  	s7 =	simm.s32 $0x0;
	s21 =	sshll.u32 s5, $0x1;
	s5 =	sadd.s32 s22, s3  }
0x15: {  	[timem:s7], [sflag:s23] =	dma.local [hbm:s5], s21  }
0x16: {  	_ =	swait.ge [sflag:s23], s21  }
0x17: {  	s4 =	ssub.s32 $0x0, s21;
	[sflag:s23] =	ssyncset.done $0x0  }
0x18: {  	[sflag:s23] =	ssyncadd.s32 s4;
	_ =	sdelay $0x1  }
0x19: {  	s24 =	simm.s32 $0x1B8B  }
0x1a: {  	_ =	swait.ge [sflag:s24], $0x1  }
0x1b: {  	[sflag:s24] =	ssyncset.done $0x0  }
0x1c: {  	s26 =	simm.s32 $0x1B8E;
	s25 =	sld [smem:$0x3FFE];
	[sflag:s24] =	ssyncadd.s32 $0xFFFFFFFF  }
0x1d: {  	s27 =	simm.s32 $execute0_lowered;
	[smem:$0x3FD2] =	sst s26  }
0x1e: {  	s5 =	sshll.u32 s27, $0x1;
	_ =	strace $0x80000046;
	[dreg:$0x1] =	wrdreg $0xFFFFFFFF  }
0x1f: {  	s28 =	simm.s32 $_size_execute0_lowered;
	s3 =	sadd.s32 s3, s5;
	[dreg:$0x0] =	wrdreg $0x0  }
0x20: {  	s5 =	sshll.u32 s28, $0x1;
	[dreg:$0x2] =	wrdreg s3  }
0x21: {  	[dreg:$0x3] =	wrdreg s5  }
0x22: {  	[dreg:$0x4] =	wrdreg $0xC0  }
0x23: {  	_ =	task [dreg:s7], $0x5FFFF  }
0x24: {  	[dreg:$0x1] =	wrdreg $0xFFFFFFFF  }
0x25: {  	[dreg:$0x0] =	wrdreg $0x60  }
0x26: {  	[dreg:$0x2] =	wrdreg s25  }
0x27: {  	[dreg:$0x3] =	wrdreg s2  }
0x28: {  	[dreg:$0x4] =	wrdreg $0x9  }
0x29: {  	_ =	task.clear_ibuf [dreg:s7], $0x5FFFF;
	_ =	strace $0x90000046  }
0x2a: {  	s29 =	simm.s32 $0x9;
	_ =	strace $0x80000048  }
0x2b: {  	_ =	swait.ge [sflag:s29], $0x1  }
0x2c: {  	[sflag:s29] =	ssyncadd.s32 $0xFFFFFFFF  }
0x2d: {  	_ =	strace $0x90000048  }
0x2e: {  	_ =	sfence  }
0x2f: {  	s30 =	sld [smem:$0x0];
	_ =	sdelay $0x2  }
0x30: {  	s31 =	sshll.u32 s1, $0xD;
	s1 =	sshrl.u32 s1, $0x2  }
0x31: {  	s3 =	sand.u32 $0x4000, s31;
	s1 =	sadd.s32 s1, s30  }
0x32: {  	s0 =	sor.u32 s3, s0;
	s1 =	sshll.u32 s1, $0x11  }
0x33: {  	s0 =	sor.u32 s1, s0  }
0x34: {  	s0 =	sadd.s32 $0x8F2B, s0  }
0x35: {  	[sflag:s0] =	ssyncadd.remote.s32 $0x1  }
0x36: {  	_ =	sfence.sel $0xFFFF  }
0x37: {  	[dreg:$0x0] =	wrdreg $0xFFFFFFFF;
	(pc) =	sbr.abs _section_cstart, $3  }
0x38: {  	[dreg:$0x1] =	wrdreg $0xFFFFFFFF  }
0x39: {  	_ =	task.clear_ibuf [dreg:s7], $0x2FFFF;
	_ =	strace $0x9FFFFFFF  }
0x3a: {  	(tm) =	ssettm $0x7FFFFFFF  }
0x3b: {  	_ =	shalt  }
tec
execute0_lowered:
.L_overlay_start_1:
0x0: {  	(tag) =	ssettag $0x1  }
0x1: {  	s0 =	stileid.u32  }
0x2: {  	s1 =	srdreg.scid;
	s10 =	rddreg [dreg:$0x0];
	s8 =	simm.s32 $0x2  }
0x3: {  	s20 =	simm.s32 $0x0;
	s2 =	sshll.u32 s0, $0x1;
	s1 =	sshll.u32 s1, $0x5  }
0x4: {  	s12 =	simm.s32 $0x1FA400;
	s21 =	simm.s32 $0x0;
	s1 =	sor.u32 s2, s1  }
0x5: {  	s22 =	simm.s32 $0x0;
	s13 =	simm.s32 $0x0;
	s1 =	sand.u32 $0x3C, s1  }
0x6: {  	s14 =	simm.s32 $0x0;
	s2 =	sand.u32 $0x1, s0;
	s3 =	ssub.s32 $0x438, s1  }
0x7: {  	s15 =	simm.s32 $0x0;
	s4 =	ssub.s32 $0x2, s2;
	s5 =	sand.u32 $0x3C, s3  }
0x8: {  	s6 =	sshrl.u32 s4, $0x1;
	p0 =	sne.s32 s5, $0x0;
	s5 =	simm.s32 $0x1  }
0x9: {  	s7 =	sand.u32 $0x1, s4;
	s3 =	sshrl.u32 s3, $0x6;
	s5 =	simm.s32 @!p0 $0x0  }
0xa: {  	s16 =	simm.s32 $0x0;
	s6 =	sadd.s32 s7, s6;
	s5 =	sadd.s32 s5, s3  }
0xb: {  	s19 =	simm.s32 $0x0;
	s9 =	sadd.s32 $0x18B400, s10;
	s7 =	smul.u32 s5, s6  }
.Ltmp0:
0xc: {  	s18 =	smov.u32 s2;
	s4 =	rddreg [dreg:$0x1];
	(pc) =	sbr.rel .LBB1_1-.Ltmp0, $4  }
0xd: {  	s3 =	rddreg [dreg:$0x2];
	_ =	strace $0x80000047;
	s6 =	simm.s32 $0x1  }
0xe: {  	s17 =	smov.u32 s1;
	[sflag:s6] =	ssyncpa.u1 $0x0;
	s7 =	smul.u32 $0xF, s7  }
0xf: {  	p0 =	por $0x0, $0x0;
	s5 =	sadd.s32 $0x17C400, s10;
	[sflag:s8] =	ssyncpa.u1 $0x0  }
0x10: {  	s8 =	sadd.s32 $0x183C00, s10;
	s10 =	sadd.s32 $0x192C00, s10;
	s11 =	sadd.s32 $0x1, s7  }
.LBB1_7:
0x11: {  	p1 =	slt.u32 s19, $0x2  }
0x12: {  	s23 =	smov.u32 s22;
	p2 =	sgt.s32 @!p1 s22, $0x1;
	s24 =	sshra.s32 @!p1 s22, $0x1F  }
0x13: {  	s25 =	sshra.s32 @!p1 s21, $0x1F;
	p3 =	sgt.s32 @!p1 s20, $0x700;
	p2 =	por !p2, p1  }
0x14: {  	s22 =	sand.u32 @!p1 s24, s22;
	s23 =	simm.s32 @p2 $0x1;
	p2 =	sgt.s32 @!p1 s21, $0x434  }
0x15: {  	s24 =	smov.u32 s21;
	s22 =	sxor.u32 @!p1 $0xFFFFFFFF, s22;
	p2 =	por !p2, p1  }
0x16: {  	s21 =	sand.u32 @!p1 s25, s21;
	s22 =	sadd.s32 @!p1 s22, s23;
	s24 =	simm.s32 @p2 $0x434  }
0x17: {  	p3 =	por !p3, p1;
	p2 =	sgt.s32 @!p1 s22, $0x0;
	s21 =	ssub.s32 @!p1 s24, s21  }
0x18: {  	s22 =	ssub.s32 @!p1 $0x1, s22;
	s24 =	smov.u32 s20;
	s23 =	sadd.s32 @!p1 $0xFFFFFBCC, s21  }
0x19: {  	s24 =	simm.s32 @p3 $0x700;
	p3 =	sgt.s32 @!p1 s23, $0x3;
	s23 =	sshra.s32 @!p1 s20, $0x1F  }
0x1a: {  	s22 =	smul.u32 @!p1 $0x3, s22;
	p2 =	por !p2, p1;
	s20 =	sand.u32 @!p1 s23, s20  }
0x1b: {  	s21 =	ssub.s32 @!p1 $0x438, s21;
	p3 =	por !p3, p1;
	s20 =	ssub.s32 @!p1 s24, s20  }
0x1c: {  	s22 =	simm.s32 @!p2 $0x0;
	s21 =	simm.s32 @!p3 $0x0;
	s23 =	sadd.s32 @!p1 $0xFFFFF900, s20  }
0x1d: {  	s24 =	smov.u32 s17;
	s21 =	smul.u32 @!p1 s22, s21;
	p2 =	sgt.s32 @!p1 s23, $0x7F  }
0x1e: {  	s20 =	ssub.s32 @!p1 $0x780, s20;
	s23 =	sadd.s32 $0x80, s16;
	p2 =	por !p2, p1  }
0x1f: {  	s22 =	sadd.s32 $0x40, s17;
	s20 =	simm.s32 @!p2 $0x0;
	p2 =	sgt.s32 s23, $0x77F  }
0x20: {  	s25 =	smov.u32 s18;
	s24 =	smov.u32 @p2 s22  }
0x21: {  	s20 =	smul.u32 @!p1 s20, s21;
	s21 =	sadd.s32 $0x2, s18;
	p3 =	sgt.s32 s24, $0x437  }
0x22: {  	p0 =	por !p0, !p0;
	s26 =	simm.s32 @!p1 $0x2;
	s25 =	smov.u32 @p3 s21  }
0x23: {  	s23 =	simm.s32 @p2 $0x0;
	s22 =	smov.u32 s15;
	p2 =	sgt.s32 s25, $0x1  }
0x24: {  	s15 =	smov.u32 s18;
	s25 =	smov.u32 @p2 s2;
	p2 =	sne.s32 s19, s11  }
.Ltmp1:
0x25: {  	s20 =	sand.u32 @!p1 $0x3FFFFFFF, s20;
	s24 =	smov.u32 @p3 s1;
	(pc) =	sbr.rel @!p2 .LBB1_8-.Ltmp1, $4  }
0x26: {  	s21 =	smov.u32 s14;
	s14 =	smov.u32 s17;
	_ =	swait.ge @!p1 [sflag:s26], s20  }
0x27: {  	s27 =	ssub.s32 @!p1 $0x0, s20;
	s20 =	smov.u32 s13;
	s13 =	smov.u32 s16  }
0x28: {  	s16 =	smov.u32 s23;
	s17 =	smov.u32 s24;
	[sflag:s26] =	ssyncset.done @!p1 $0x0  }
0x29: {  	s19 =	sadd.s32 $0x1, s19;
	[sflag:s26] =	ssyncadd.s32 @!p1 s27;
	s18 =	smov.u32 s25  }
.LBB1_1:
0x2a: {  	p1 =	sge.u32 s19, s7  }
0x2b: {  	s23 =	sand.u32 @!p1 $0x1FFFFFF, s16  }
0x2c: {  	s24 =	smulhi.u32 @!p1 $0x2222223, s23;
	_ =	sdelay $0x1  }
0x2d: {  	s25 =	smul.u32 @!p1 $0x1FA4000, s18;
	s24 =	sshrl.u32 @!p1 s24, $0x4  }
0x2e: {  	s24 =	smul.u32 @!p1 $0x780, s24  }
0x2f: {  	s26 =	sxor.u32 @!p1 $0xFFFFFFFF, s19;
	s27 =	smul.u32 @!p1 $0x7800, s17  }
0x30: {  	s28 =	simm.s32 @!p1 $0x20;
	s23 =	ssub.s32 @!p1 s23, s24;
	s24 =	sadd.s32 @!p1 s5, s25  }
0x31: {  	s26 =	sshll.u32 @!p1 s26, $0xE;
	s23 =	sshll.u32 @!p1 s23, $0x4;
	s24 =	sadd.s32 @!p1 s27, s24  }
0x32: {  	s29 =	simm.s32 @!p1 $0x80;
	s26 =	sand.u32 @!p1 $0x4000, s26;
	s24 =	sadd.s32 @!p1 s23, s24  }
0x33: {  	[tilespmem:s26], [sflag:$0x1] =	stream.strided.gather @!p1 [hbm4b:s24+s28], $0x1000, s29, s28, $0x38;
	[tilespmem:$0x10100] =	vst v63  }
0x34: {  	s24 =	sadd.s32 @!p1 s25, s8  }
0x35: {  	s24 =	sadd.s32 @!p1 s27, s24  }
0x36: {  	s30 =	sor.u32 @!p1 $0x1000, s26;
	s24 =	sadd.s32 @!p1 s23, s24  }
0x37: {  	[tilespmem:s30], [sflag:$0x1] =	stream.strided.gather @!p1 [hbm4b:s24+s28], $0x1000, s29, s28, $0x38;
	[tilespmem:$0x10100] =	vst v63  }
0x38: {  	s24 =	sadd.s32 @!p1 s25, s9  }
0x39: {  	s24 =	sadd.s32 @!p1 s27, s24  }
0x3a: {  	s30 =	sor.u32 @!p1 $0x2000, s26;
	s24 =	sadd.s32 @!p1 s23, s24  }
0x3b: {  	[tilespmem:s30], [sflag:$0x1] =	stream.strided.gather @!p1 [hbm4b:s24+s28], $0x1000, s29, s28, $0x38;
	[tilespmem:$0x10100] =	vst v63  }
0x3c: {  	s24 =	sadd.s32 @!p1 s25, s10  }
0x3d: {  	s24 =	sadd.s32 @!p1 s27, s24  }
0x3e: {  	s31 =	sadd.s32 $0xFFFFFFFF, s19;
	s23 =	sadd.s32 @!p1 s23, s24;
	s24 =	sor.u32 @!p1 $0x3000, s26  }
0x3f: {  	[tilespmem:s24], [sflag:$0x1] =	stream.strided.gather @!p1 [hbm4b:s23+s28], $0x1000, s29, s28, $0x38;
	[tilespmem:$0x10100] =	vst v63  }
0x40: {  	p1 =	sge.u32 s31, s7  }
.Ltmp2:
0x41: {  	_ = 	snop;
	(pc) =	sbr.rel @p1 .LBB1_7-.Ltmp2, $1  }
0x42: {  	_ =	sdelay $0x3  }
0x43: {  	s23 =	simm.s32 $0x1;
	s25 =	sand.u32 $0x1, s19  }
0x44: {  	_ =	swait.ge [sflag:s6], $0x4000;
	s23 =	simm.s32 @!p0 $0x0;
	s26 =	smul.u32 $0x10200, s25  }
0x45: {  	[sflag:s6] =	ssyncset.done $0x0;
	s24 =	smul.u32 $0x10200, s23  }
0x46: {  	s23 =	sshll.u32 s23, $0xE;
	[sflag:s6] =	ssyncadd.s32 $0xFFFFC000  }
0x47: {  	s25 =	sor.u32 $0x10, s23;
	s31 =	sshrl.u32 s26, $0x2;
	s24 =	sshrl.u32 s24, $0x2  }
0x48: {  	s26 =	simm.s32 $0x0;
	s23 =	sor.u32 $0x8000, s31;
	s24 =	sor.u32 $0x8000, s24  }
.LBB1_3:
0x49: {  	v1 =	vld [tilespmem:s25+$0x0]  }
0x4a: {  	v0 =	vld [tilespmem:s25+$0xFFFFFFF0];
	_ =	sdelay $0x2  }
0x4b: {  	s29 =	sadd.s32 $0x0, s24  }
0x4c: {  	s27 =	simm.s32 $0x4;
	s28 =	sadd.s32 $0x20, s25;
	[tilespmem:s29+$0x2040 ss:$0x204] =	vst.msk $0xffff, v1  }
.LBB1_4:
0x4d: {  	v1 =	vld [tilespmem:s28+$0x0];
	p1 =	sne.s32 s27, $0x1FC;
	[tilespmem:s29+$0x0 ss:$0x204] =	vst.msk $0xffff, v0;
	s29 =	smov.u32 s27;
	s27 =	sadd.s32 $0x4, s27  }
.Ltmp3:
0x4e: {  	v0 =	vld [tilespmem:s28+$0xFFFFFFF0];
	(pc) =	sbr.rel @p1 .LBB1_4-.Ltmp3, $4  }
0x4f: {  	_ = 	snop  }
0x50: {  	s29 =	sshra.s32 s29, $0x2  }
0x51: {  	s29 =	sadd.s32 s29, s24  }
0x52: {  	s28 =	sadd.s32 $0x20, s28;
	[tilespmem:s29+$0x2040 ss:$0x204] =	vst.msk $0xffff, v1  }
0x53: {  	s26 =	sadd.s32 $0x1, s26  }
0x54: {  	p1 =	sne.s32 s26, $0x4  }
.Ltmp4:
0x55: {  	_ = 	snop;
	(pc) =	sbr.rel @p1 .LBB1_3-.Ltmp4, $2  }
0x56: {  	_ =	sdelay $0x2  }
0x57: {  	[tilespmem:s29+$0x0 ss:$0x204] =	vst.msk $0xffff, v0;
	s24 =	sadd.s32 $0x81, s24;
	s25 =	sadd.s32 $0x1000, s25  }
0x58: {  	s24 =	sshrl.u32 s14, $0x3  }
0x59: {  	s25 =	sshll.u32 s13, $0x3;
	s26 =	sshll.u32 s14, $0x7;
	s30 =	sand.u32 $0x7F, s13  }
0x5a: {  	s27 =	sshra.s32 s15, $0x1F;
	p1 =	sgt.s32 s15, $0x1;
	s28 =	smov.u32 s15  }
0x5b: {  	s24 =	smul.u32 $0x3C00, s24;
	s25 =	sand.u32 $0xFFFFFC00, s25;
	s27 =	sand.u32 s27, s15  }
0x5c: {  	s29 =	sand.u32 $0x380, s26;
	s28 =	simm.s32 @!p1 $0x1;
	s27 =	sxor.u32 $0xFFFFFFFF, s27  }
0x5d: {  	p1 =	sgt.s32 s14, $0x434;
	s24 =	sadd.s32 s24, s25;
	s27 =	sadd.s32 s27, s28  }
0x5e: {  	s24 =	sor.u32 s29, s24;
	s28 =	ssub.s32 $0x1, s27;
	s29 =	smov.u32 s14  }
0x5f: {  	s25 =	sor.u32 s30, s24;
	s24 =	smulhi.u32 $0x88888889, s24;
	s30 =	sshra.s32 s14, $0x1F  }
0x60: {  	s28 =	smul.u32 $0x3, s28;
	s29 =	simm.s32 @!p1 $0x434;
	p1 =	sgt.s32 s27, $0x0  }
0x61: {  	s26 =	smulhi.u32 $0x88888889, s25;
	s30 =	sand.u32 s30, s14;
	s24 =	sshrl.u32 s24, $0xA  }
0x62: {  	s27 =	ssub.s32 s29, s30;
	s28 =	simm.s32 @p1 $0x0;
	p1 =	sgt.s32 s13, $0x700  }
0x63: {  	s30 =	smov.u32 s13;
	s26 =	sshrl.u32 s26, $0xA;
	s31 =	smulhi.u32 $0x3CAE76, s24  }
0x64: {  	s29 =	sadd.s32 $0xFFFFFBCC, s27;
	s30 =	simm.s32 @!p1 $0x700;
	s27 =	ssub.s32 $0x438, s27  }
0x65: {  	p1 =	sgt.s32 s29, $0x3;
	s29 =	sshra.s32 s13, $0x1F;
	s26 =	smul.u32 $0x780, s26  }
0x66: {  	s31 =	smul.u32 $0x438, s31;
	s29 =	sand.u32 s29, s13;
	s27 =	simm.s32 @p1 $0x0  }
0x67: {  	s29 =	ssub.s32 s30, s29;
	s27 =	smul.u32 s28, s27  }
0x68: {  	s30 =	smul.u32 $0xBDD80, s15;
	s24 =	ssub.s32 s24, s31;
	s31 =	sadd.s32 $0xFFFFF900, s29  }
0x69: {  	s28 =	ssub.s32 $0x780, s29;
	p1 =	sgt.s32 s31, $0x7F;
	s24 =	smul.u32 $0xF0, s24  }
.Ltmp5:
0x6a: {  	s25 =	ssub.s32 s25, s26;
	s28 =	simm.s32 @p1 $0x0;
	(pc) =	sbr.rel .LBB1_7-.Ltmp5, $4  }
0x6b: {  	s29 =	sand.u32 $0x7, s25;
	s31 =	sadd.s32 s4, s30;
	s26 =	smul.u32 s28, s27  }
0x6c: {  	s25 =	sshrl.u32 s25, $0x3;
	s30 =	sshll.u32 s29, $0x12;
	s24 =	sadd.s32 s24, s31  }
0x6d: {  	s31 =	sor.u32 $0x200, s30;
	s24 =	sadd.s32 s25, s24;
	s26 =	sand.u32 $0x3FFFFFFF, s26  }
0x6e: {  	[hbm4b:s24+s31] =	stream.strided.scatter [tilespmem:s23], [sflag:$0x2], s26, s12, s31, $0x20;
	[tilespmem:$0x10100] =	vst v63  }
.LBB1_8:
0x6f: {  	_ =	sfence.sel $0x180000  }
0x70: {  	s1 =	simm.s32 $0x1;
	[bflag:$0x0] =	sbarrier.arrive $0xFFFF  }
0x71: {  	s31 =	simm.s32 $0x2;
	[sflag:s1] =	ssyncpa.u1 $0x1  }
0x72: {  	[sflag:s31] =	ssyncpa.u1 $0x1  }
0x73: {  	p0 =	sne.s32 s0, $0x0;
	_ =	strace $0x90000047  }
0x74: {  	s0 =	sadd.s32 @!p0 $0x100000, s3;
	[bflag:$0x2] =	sbarrier.arrive $0xFFFF  }
0x75: {  	[sflag:s0] =	ssyncadd.tile.s32 @!p0 $0x1;
	_ =	shalt  }
.Lfunc_end1:
_tile_overlayer_lowered:
.L_overlay_start_2:
0x76: {  	(tag) =	ssettag $0x2  }
0x77: {  	s0 =	rddreg [dreg:$0x0];
	s2 =	stileid.u32  }
0x78: {  	s1 =	rddreg [dreg:$0x1];
	p0 =	sne.s32 s2, $0x0  }
0x79: {  	s3 =	rddreg [dreg:$0x2];
	[bflag:$0x3] =	sbarrier.arrive $0xFFFF;
	s2 =	simm.s32 @!p0 $0x1C01  }
0x7a: {  	[timem:s3], [sflag:s2] =	dma.local @!p0 [hbm:s0], s1  }
0x7b: {  	s0 =	simm.s32 @!p0 $0x1  }
0x7c: {  	_ =	swait.ge @!p0 [sflag:s0], s1  }
0x7d: {  	s1 =	ssub.s32 @!p0 $0x0, s1;
	[sflag:s0] =	ssyncset.done @!p0 $0x0  }
0x7e: {  	[sflag:s0] =	ssyncadd.s32 @!p0 s1  }
0x7f: {  	[bflag:$0x3] =	sbarrier.arrive $0xFFFF  }
0x80: {  	_ =	shalt  }

</sc_bundles>
